<compile_context>
chip_gen: v7x
topology: tpu7x:2x2x1
jax: 0.10.2.dev20260603
libtpu: 0.0.44.dev20260713+nightly
codegen_flags: <defaults>
</compile_context>

<pallas_src>
import jax
import jax.numpy as jnp
from jax import lax
from jax.experimental import pallas as pl

NUM_CLASSES = 10
NUM_YAW = 2
BOX_DOF = 7
C_IN = 384
B, NY, NX = 4, 200, 176
HW = NY * NX
C_CLS = NUM_CLASSES * NUM_YAW
C_REG = C_CLS * BOX_DOF
PAD = 4
C_ALL = C_CLS + PAD + C_REG
TILE = 1408


def _mm_kernel(x_ref, w_ref, b_ref, o_ref):
    o_ref[...] = (
        lax.dot_general(
            w_ref[...], x_ref[...],
            dimension_numbers=(((0,), (1,)), ((), ())),
            preferred_element_type=jnp.float32,
        )
        + b_ref[...]
    )


def _head_matmul(xb, w_all, b_all):
    return pl.pallas_call(
        _mm_kernel,
        grid=(HW // TILE,),
        in_specs=[
            pl.BlockSpec((TILE, C_IN), lambda t: (t, 0)),
            pl.BlockSpec((C_IN, C_ALL), lambda t: (0, 0)),
            pl.BlockSpec((C_ALL, 1), lambda t: (0, 0)),
        ],
        out_specs=pl.BlockSpec((C_ALL, TILE), lambda t: (0, t)),
        out_shape=jax.ShapeDtypeStruct((C_ALL, HW), jnp.float32),
    )(xb, w_all, b_all)


def kernel(feature_map, W_cls, b_cls, W_reg, b_reg):
    xt = jnp.transpose(feature_map, (0, 2, 3, 1))
    xf = xt.reshape(B, HW, C_IN)

    perm = jnp.asarray(
        [c * 14 + d * 2 + y
         for c in range(NUM_CLASSES)
         for y in range(NUM_YAW)
         for d in range(BOX_DOF)],
        dtype=jnp.int32,
    )
    w_all = jnp.concatenate(
        [W_cls, jnp.zeros((PAD, C_IN), jnp.float32), W_reg[perm]], axis=0
    ).T
    b_all = jnp.concatenate(
        [b_cls, jnp.zeros((PAD,), jnp.float32), b_reg[perm]], axis=0
    ).reshape(C_ALL, 1)

    cls_parts = []
    reg_parts = []
    for b in range(B):
        m = _head_matmul(xf[b], w_all, b_all)
        cls_parts.append(
            m[:C_CLS].reshape(NUM_CLASSES, NUM_YAW, NY, NX)
        )
        reg_parts.append(
            jnp.transpose(
                m[C_CLS + PAD:].reshape(
                    NUM_CLASSES, NUM_YAW, BOX_DOF, NY, NX
                ),
                (0, 1, 3, 4, 2),
            )
        )
    cls_map = jnp.stack(cls_parts, axis=0)
    reg_map = jnp.stack(reg_parts, axis=0)
    return (cls_map, reg_map)

# --- scband reference (transcript-rebuilt; emitter-appended) ---
"""Pipeline reference for scband-proposal-layer-3925600109282 (READ-ONLY COPY).

The authoritative reference and input builder live on the scoring server;
editing this copy changes nothing except your own understanding.
"""

import jax, jax.numpy as jnp
import numpy as np
import math

NUM_CLASSES = 10
NUM_YAW = 2
BOX_DOF = 7
C_IN = 384
B, NY, NX = 4, 200, 176


def setup_inputs(seed: int = 0) -> dict:
    key = jax.random.key(seed)
    k0, k1, k2 = jax.random.split(key, 3)
    feature_map = jax.random.normal(k0, (B, C_IN, NY, NX), dtype=jnp.float32)
    c_cls = NUM_CLASSES * NUM_YAW
    c_reg = NUM_CLASSES * NUM_YAW * BOX_DOF
    W_cls = 0.01 * jax.random.normal(k1, (c_cls, C_IN), dtype=jnp.float32)
    b_cls = jnp.full((c_cls,), -math.log(1 - 0.01) / 0.01, dtype=jnp.float32)
    W_reg = 0.01 * jax.random.normal(k2, (c_reg, C_IN), dtype=jnp.float32)
    b_reg = jnp.zeros((c_reg,), dtype=jnp.float32)
    return {"feature_map": feature_map, "W_cls": W_cls, "b_cls": b_cls, "W_reg": W_reg, "b_reg": b_reg}


def reference(feature_map, W_cls, b_cls, W_reg, b_reg):
    # 1x1 conv == channel matmul
    cls_raw = jnp.einsum('bchw,oc->bohw', feature_map, W_cls) + b_cls[None, :, None, None]
    reg_raw = jnp.einsum('bchw,oc->bohw', feature_map, W_reg) + b_reg[None, :, None, None]
    b, _, ny, nx = cls_raw.shape
    cls_map = cls_raw.reshape(b, NUM_CLASSES, NUM_YAW, ny, nx)
    reg_map = reg_raw.reshape(b, NUM_CLASSES, BOX_DOF, NUM_YAW, ny, nx)
    reg_map = jnp.transpose(reg_map, (0, 1, 3, 4, 5, 2))
    return (cls_map, reg_map)

if __name__ == "__main__":
    import jax
    _d = setup_inputs()
    print(jax.jit(kernel)(*tuple(_d.values())))

</pallas_src>

<mosaic_0001>
module attributes {stable_mosaic.version = 14 : i64} {
  func.func @_mm_kernel(%arg0: i32, %arg1: memref<1408x384xf32, #tpu.memory_space<vmem>>, %arg2: memref<384x164xf32, #tpu.memory_space<vmem>>, %arg3: memref<164x1xf32, #tpu.memory_space<vmem>>, %arg4: memref<164x1408xf32, #tpu.memory_space<vmem>>) attributes {dimension_semantics = [#tpu.dimension_semantics<arbitrary>], iteration_bounds = array<i64: 25>, scalar_prefetch = 0 : i64, scratch_operands = 0 : i64, tpu.core_type = #tpu.core_type<tc>, window_params = [{transform_indices = @transform_0, window_bounds = array<i64: 1408, 384>}, {pipeline_mode = #tpu.pipeline_mode<synchronous>, transform_indices = @transform_1, window_bounds = array<i64: 384, 164>}, {pipeline_mode = #tpu.pipeline_mode<synchronous>, transform_indices = @transform_2, window_bounds = array<i64: 164, 1>}, {transform_indices = @transform_3, window_bounds = array<i64: 164, 1408>}]} {
    %get3A = arith.constant 0 : index
    %get3A_0 = arith.constant 0 : index
    %get3A_1 = vector.load %arg2[%get3A, %get3A_0] : memref<384x164xf32, #tpu.memory_space<vmem>>, vector<384x164xf32>
    %get3A_2 = arith.constant 0 : index
    %get3A_3 = arith.constant 0 : index
    %get3A_4 = vector.load %arg1[%get3A_2, %get3A_3] : memref<1408x384xf32, #tpu.memory_space<vmem>>, vector<1408x384xf32>
    %dot_general3A = arith.constant dense<0.000000e+00> : vector<164x1408xf32>
    %dot_general3A_5 = tpu.matmul %get3A_1, %get3A_4, %dot_general3A {dimension_numbers = #tpu.dot_dimension_numbers<[0], [1], [1], [0], [0, 1, 1, 0], [], []>, transpose_lhs_hint = false} : vector<384x164xf32>, vector<1408x384xf32>, vector<164x1408xf32> -> vector<164x1408xf32>
    %get3A_6 = arith.constant 0 : index
    %get3A_7 = arith.constant 0 : index
    %get3A_8 = vector.load %arg3[%get3A_6, %get3A_7] : memref<164x1xf32, #tpu.memory_space<vmem>>, vector<164x1xf32>
    %add3A = vector.broadcast %get3A_8 : vector<164x1xf32> to vector<164x1408xf32>
    %add3A_9 = arith.addf %dot_general3A_5, %add3A : vector<164x1408xf32>
    %swap3A = arith.constant 0 : index
    %swap3A_10 = arith.constant 0 : index
    %swap3A_11 = vector.load %arg4[%swap3A, %swap3A_10] : memref<164x1408xf32, #tpu.memory_space<vmem>>, vector<164x1408xf32>
    tpu.vector_store %arg4[%swap3A, %swap3A_10], %add3A_9 {strides = array<i32>} : memref<164x1408xf32, #tpu.memory_space<vmem>>, vector<164x1408xf32>,
    return
  }
  func.func @transform_0(%arg0: i32) -> (i32, i32) {
    %c0_i32 = arith.constant 0 : i32
    %c0_i32_0 = arith.constant 0 : i32
    return %arg0, %c0_i32 : i32, i32
  }
  func.func @transform_1(%arg0: i32) -> (i32, i32) {
    %c0_i32 = arith.constant 0 : i32
    %c0_i32_0 = arith.constant 0 : i32
    %c0_i32_1 = arith.constant 0 : i32
    return %c0_i32, %c0_i32_0 : i32, i32
  }
  func.func @transform_2(%arg0: i32) -> (i32, i32) {
    %c0_i32 = arith.constant 0 : i32
    %c0_i32_0 = arith.constant 0 : i32
    %c0_i32_1 = arith.constant 0 : i32
    return %c0_i32, %c0_i32_0 : i32, i32
  }
  func.func @transform_3(%arg0: i32) -> (i32, i32) {
    %c0_i32 = arith.constant 0 : i32
    %c0_i32_0 = arith.constant 0 : i32
    return %c0_i32, %arg0 : i32, i32
  }
}

</mosaic_0001>

<sc_bundles>
// kernel: sparse-core-data-format-call.cloned.1.call-start
scs
called_computation_lowered:
.L_overlay_start_0:
0x0: {  	s2 =	sld [smem:$0x3FD9]  }
0x1: {  	s3 =	sld [smem:$0x3FFE];
	_ =	sdelay $0x1  }
0x2: {  	s1 =	srdreg.scid  }
0x3: {  	s0 =	sand.u32 $0x1, s1  }
0x4: {  	s15 =	sshll.u32 s0, $0xA;
	s2 =	sadd.s32 s3, s2  }
0x5: {  	s2 =	sadd.s32 s2, s15  }
0x6: {  	[smem:$0x3FC3] =	sst s2  }
0x7: {  	_ = 	snop  }
0x8: {  	s2 =	sld [smem:$0x3FD0];
	_ =	sdelay $0x2  }
0x9: {  	s16 =	simm.s32 $0xA;
	s4 =	simm.s32 $0x10  }
0xa: {  	[smem:s4], [sflag:s16] =	dma.local [hbm:s2], $0x1  }
0xb: {  	_ =	swait.eq [sflag:s16], $0x1  }
0xc: {  	[sflag:s16] =	ssyncset.done $0x0  }
0xd: {  	[sflag:s16] =	ssyncadd.s32 $0xFFFFFFFF  }
0xe: {  	s17 =	sld [smem:$0x11];
	(tm) =	ssettm $0x1  }
0xf: {  	s18 =	sld [smem:$0x3FFB];
	_ =	sdelay $0x3  }
0x10: {  	_ =	strace s18  }
0x11: {  	s3 =	sld [smem:$0x3FFC];
	_ =	sdelay $0x3  }
0x12: {  	_ =	strace s3  }
0x13: {  	s3 =	sld [smem:$0x3FFD];
	_ =	sdelay $0x3  }
0x14: {  	_ =	strace s3  }
0x15: {  	_ =	strace $0x8FFFFFFF  }
0x16: {  	s19 =	sld [smem:$0x3FDB];
	_ =	sdelay $0x1  }
0x17: {  	s20 =	simm.s32 $_scs_section_size  }
0x18: {  	s5 =	simm.s32 $_size__tile_overlayer_lowered;
	s6 =	simm.s32 $_tile_overlayer_lowered  }
0x19: {  	s23 =	simm.s32 $0x1BFF;
	s22 =	sshll.u32 s6, $0x1;
	s3 =	sadd.s32 s20, s19  }
0x1a: {  	s7 =	simm.s32 $0x0;
	s21 =	sshll.u32 s5, $0x1;
	s5 =	sadd.s32 s22, s3  }
0x1b: {  	[timem:s7], [sflag:s23] =	dma.local [hbm:s5], s21  }
0x1c: {  	_ =	swait.ge [sflag:s23], s21  }
0x1d: {  	s4 =	ssub.s32 $0x0, s21;
	[sflag:s23] =	ssyncset.done $0x0  }
0x1e: {  	[sflag:s23] =	ssyncadd.s32 s4;
	_ =	sdelay $0x1  }
0x1f: {  	s24 =	simm.s32 $0x1B8B  }
0x20: {  	_ =	swait.ge [sflag:s24], $0x1  }
0x21: {  	[sflag:s24] =	ssyncset.done $0x0  }
0x22: {  	s26 =	simm.s32 $0x1B8E;
	s25 =	sld [smem:$0x3FFE];
	[sflag:s24] =	ssyncadd.s32 $0xFFFFFFFF  }
0x23: {  	s27 =	simm.s32 $execute0_lowered;
	[smem:$0x3FD2] =	sst s26  }
0x24: {  	s5 =	sshll.u32 s27, $0x1;
	_ =	strace $0x80000046;
	[dreg:$0x1] =	wrdreg $0xFFFFFFFF  }
0x25: {  	s28 =	simm.s32 $_size_execute0_lowered;
	s3 =	sadd.s32 s3, s5;
	[dreg:$0x0] =	wrdreg $0x0  }
0x26: {  	s5 =	sshll.u32 s28, $0x1;
	[dreg:$0x2] =	wrdreg s3  }
0x27: {  	[dreg:$0x3] =	wrdreg s5  }
0x28: {  	[dreg:$0x4] =	wrdreg $0xC0  }
0x29: {  	_ =	task [dreg:s7], $0x5FFFF  }
0x2a: {  	[dreg:$0x1] =	wrdreg $0xFFFFFFFF  }
0x2b: {  	[dreg:$0x0] =	wrdreg $0x60  }
0x2c: {  	[dreg:$0x2] =	wrdreg s25  }
0x2d: {  	[dreg:$0x3] =	wrdreg s17  }
0x2e: {  	[dreg:$0x4] =	wrdreg $0x9  }
0x2f: {  	_ =	task.clear_ibuf [dreg:s7], $0x5FFFF;
	_ =	strace $0x90000046  }
0x30: {  	s29 =	simm.s32 $0x9;
	_ =	strace $0x80000048  }
0x31: {  	_ =	swait.ge [sflag:s29], $0x1  }
0x32: {  	[sflag:s29] =	ssyncadd.s32 $0xFFFFFFFF  }
0x33: {  	_ =	strace $0x90000048  }
0x34: {  	_ =	sfence  }
0x35: {  	s30 =	sld [smem:$0x0];
	_ =	sdelay $0x2  }
0x36: {  	s31 =	sshll.u32 s1, $0xD;
	s1 =	sshrl.u32 s1, $0x2  }
0x37: {  	s3 =	sand.u32 $0x4000, s31;
	s1 =	sadd.s32 s1, s30  }
0x38: {  	s0 =	sor.u32 s3, s0;
	s1 =	sshll.u32 s1, $0x11  }
0x39: {  	s0 =	sor.u32 s1, s0  }
0x3a: {  	s0 =	sadd.s32 $0x8F2B, s0  }
0x3b: {  	[sflag:s0] =	ssyncadd.remote.s32 $0x1  }
0x3c: {  	_ =	sfence.sel $0xFFFF  }
0x3d: {  	[dreg:$0x0] =	wrdreg $0xFFFFFFFF;
	(pc) =	sbr.abs _section_cstart, $3  }
0x3e: {  	[dreg:$0x1] =	wrdreg $0xFFFFFFFF  }
0x3f: {  	_ =	task.clear_ibuf [dreg:s7], $0x2FFFF;
	_ =	strace $0x9FFFFFFF  }
0x40: {  	(tm) =	ssettm $0x7FFFFFFF  }
0x41: {  	_ =	shalt  }
tec
execute0_lowered:
.L_overlay_start_1:
0x0: {  	(tag) =	ssettag $0x1  }
0x1: {  	s0 =	rddreg [dreg:$0x0];
	s1 =	srdreg.scid  }
0x2: {  	s2 =	stileid.u32;
	_ =	strace $0x80000047;
	s23 =	simm.s32 $0x1  }
0x3: {  	s3 =	simm.s32 $0x2;
	s27 =	simm.s32 $0x0;
	s28 =	simm.s32 $0x0  }
0x4: {  	s29 =	simm.s32 $0x0;
	s15 =	simm.s32 $0x0;
	s30 =	simm.s32 $0x0  }
0x5: {  	s16 =	simm.s32 $0x0;
	s17 =	simm.s32 $0x0;
	s18 =	simm.s32 $0x0  }
0x6: {  	s19 =	simm.s32 $0x0;
	s1 =	sshll.u32 s1, $0x7;
	s21 =	sshrl.u32 s2, $0x2  }
0x7: {  	s8 =	sand.u32 $0x3, s2;
	s22 =	sshll.u32 s2, $0x4;
	[sflag:s23] =	ssyncpa.u1 $0x0  }
0x8: {  	s23 =	simm.s32 $0x0;
	s7 =	sand.u32 $0x80, s1;
	s9 =	sand.u32 $0x1, s21  }
0x9: {  	s10 =	sand.u32 $0x80, s22;
	[sflag:s3] =	ssyncpa.u1 $0x0;
	[dreg:$0x4] =	wrdreg s8  }
0xa: {  	s21 =	simm.s32 $0x0;
	s0 =	sadd.s32 s7, s0;
	[dreg:$0x3] =	wrdreg s7  }
0xb: {  	s24 =	ssub.s32 $0x2, s9;
	s26 =	smax.u32 s10, $0x48;
	[dreg:$0x5] =	wrdreg s9  }
0xc: {  	s31 =	sshll.u32 s10, $0x5;
	[dreg:$0x6] =	wrdreg s10;
	s25 =	sshrl.u32 s24, $0x1  }
0xd: {  	s1 =	sand.u32 $0x1, s24;
	s2 =	sshll.u32 s26, $0x7;
	s0 =	sadd.s32 s31, s0  }
.Ltmp0:
0xe: {  	s1 =	sadd.s32 s1, s25;
	s12 =	sxor.u32 $0x6400, s2;
	(pc) =	sbr.rel .LBB1_1-.Ltmp0, $4  }
0xf: {  	s13 =	sadd.s32 $0x711800, s0;
	s11 =	smul.u32 $0x46, s1;
	[dreg:$0x8] =	wrdreg s12  }
0x10: {  	s22 =	smov.u32 s8;
	s20 =	smov.u32 s9;
	[dreg:$0x9] =	wrdreg s13  }
0x11: {  	s24 =	simm.s32 $0x0;
	s14 =	sor.u32 $0x1, s11;
	[dreg:$0x7] =	wrdreg s11  }
0x12: {  	s26 =	simm.s32 $0x0;
	s25 =	simm.s32 $0x0;
	[dreg:$0xa] =	wrdreg s14  }
.LBB1_15:
0x13: {  	s25 =	rddreg [dreg:$0xf]  }
0x14: {  	s15 =	rddreg [dreg:$0xb]  }
0x15: {  	s18 =	rddreg [dreg:$0xe]  }
0x16: {  	s17 =	rddreg [dreg:$0xd]  }
0x17: {  	s4 =	rddreg [dreg:$0x1]  }
0x18: {  	s16 =	rddreg [dreg:$0xc]  }
0x19: {  	s12 =	rddreg [dreg:$0x14]  }
0x1a: {  	s14 =	rddreg [dreg:$0x13]  }
0x1b: {  	s26 =	rddreg [dreg:$0x15]  }
0x1c: {  	s7 =	rddreg [dreg:$0x3]  }
0x1d: {  	s8 =	rddreg [dreg:$0x4]  }
0x1e: {  	s9 =	rddreg [dreg:$0x5]  }
0x1f: {  	s30 =	simm.s32 $0x400;
	s10 =	rddreg [dreg:$0x6]  }
0x20: {  	s0 =	smul.u32 $0xC0800, s25;
	p0 =	sgt.s32 s15, $0x30;
	s1 =	smov.u32 s15  }
0x21: {  	s27 =	rddreg [dreg:$0x11];
	s2 =	smul.u32 $0x13400, s18;
	s1 =	simm.s32 @!p0 $0x30  }
0x22: {  	s29 =	rddreg [dreg:$0x12];
	s3 =	smul.u32 $0x9A00, s17;
	s1 =	sshll.u32 s1, $0x7  }
0x23: {  	s11 =	smul.u32 $0x1600, s16;
	s0 =	sadd.s32 s4, s0;
	s1 =	ssub.s32 $0x5800, s1  }
0x24: {  	s0 =	sadd.s32 s2, s0;
	s1 =	smul.u32 s12, s1;
	s12 =	rddreg [dreg:$0x8]  }
0x25: {  	s0 =	sadd.s32 s3, s0;
	s3 =	sor.u32 $0x8000, s26;
	s26 =	rddreg [dreg:$0x10]  }
0x26: {  	s31 =	simm.s32 $0x800;
	s0 =	sadd.s32 s11, s0;
	s11 =	rddreg [dreg:$0x7]  }
0x27: {  	s13 =	sshll.u32 s15, $0x5;
	s0 =	sadd.s32 s14, s0;
	s14 =	rddreg [dreg:$0xa]  }
0x28: {  	s1 =	sand.u32 $0x3FFFFF80, s1;
	s0 =	sadd.s32 s13, s0;
	s13 =	rddreg [dreg:$0x9]  }
0x29: {  	[hbm4b:s0+s30] =	stream.strided.scatter [tilespmem:s3], [sflag:$0x2], s1, s31, s30, $0x20;
	[tilespmem:$0x10100] =	vst v63  }
.LBB1_16:
0x2a: {  	p0 =	slt.u32 s23, $0x2;
	s0 =	smov.u32 s28  }
0x2b: {  	s2 =	smov.u32 s29;
	s5 =	sadd.s32 $0x4, s22;
	p1 =	sgt.s32 @!p0 s29, $0x3  }
0x2c: {  	p2 =	sgt.s32 @!p0 s28, $0x9;
	s1 =	sshra.s32 @!p0 s28, $0x1F;
	s3 =	sshra.s32 @!p0 s29, $0x1F  }
0x2d: {  	s4 =	sshra.s32 @!p0 s26, $0x1F;
	p1 =	por !p1, p0;
	p2 =	por !p2, p0  }
0x2e: {  	s1 =	sand.u32 @!p0 s1, s28;
	s3 =	sand.u32 @!p0 s3, s29;
	s0 =	simm.s32 @p2 $0x9  }
0x2f: {  	s4 =	sand.u32 @!p0 s4, s26;
	s2 =	simm.s32 @p1 $0x3;
	s0 =	ssub.s32 @!p0 s0, s1  }
0x30: {  	p2 =	sgt.s32 @!p0 s27, $0x1;
	s1 =	ssub.s32 @!p0 s2, s3;
	s2 =	sadd.s32 @!p0 $0xFFFFFFF7, s0  }
0x31: {  	s3 =	smov.u32 s27;
	s1 =	sadd.s32 @!p0 $0xFFFFFFFD, s1;
	p1 =	sgt.s32 @!p0 s2, $0x0  }
0x32: {  	s0 =	ssub.s32 @!p0 $0xA, s0;
	s2 =	sshra.s32 @!p0 s27, $0x1F;
	p1 =	por !p1, p0  }
0x33: {  	s2 =	sand.u32 @!p0 s2, s27;
	s0 =	simm.s32 @!p1 $0x0;
	p1 =	por !p2, p0  }
0x34: {  	s2 =	sxor.u32 @!p0 $0xFFFFFFFF, s2;
	p2 =	sgt.s32 @!p0 s1, $0x0;
	s1 =	sshll.u32 @!p0 s1, $0x7  }
0x35: {  	s3 =	simm.s32 @p1 $0x1;
	p1 =	sgt.s32 @!p0 s26, $0x6;
	s1 =	ssub.s32 @!p0 $0x80, s1  }
0x36: {  	p2 =	por !p2, p0;
	s2 =	sadd.s32 @!p0 s2, s3;
	p1 =	por !p1, p0  }
0x37: {  	s3 =	smov.u32 s26;
	s1 =	simm.s32 @!p2 $0x0;
	p2 =	sgt.s32 @!p0 s24, $0x30  }
0x38: {  	s3 =	simm.s32 @p1 $0x6;
	p1 =	sgt.s32 @!p0 s2, $0x0;
	s2 =	ssub.s32 @!p0 $0x1, s2  }
0x39: {  	s0 =	smul.u32 @!p0 s0, s1;
	p1 =	por !p1, p0;
	s1 =	ssub.s32 @!p0 s3, s4  }
0x3a: {  	s4 =	smov.u32 s20;
	s2 =	simm.s32 @!p1 $0x0;
	p1 =	por !p2, p0  }
0x3b: {  	s3 =	sadd.s32 @!p0 $0xFFFFFFFA, s1;
	s24 =	simm.s32 @p1 $0x30;
	s0 =	smul.u32 @!p0 s2, s0  }
0x3c: {  	s1 =	ssub.s32 @!p0 $0x7, s1;
	p1 =	sgt.s32 @!p0 s3, $0x0;
	s2 =	ssub.s32 @!p0 $0xB0, s24  }
0x3d: {  	p1 =	por !p1, p0;
	s0 =	smul.u32 @!p0 s2, s0;
	s2 =	sadd.s32 $0x1, s19  }
0x3e: {  	s3 =	sadd.s32 $0x2, s20;
	s1 =	simm.s32 @!p1 $0x0;
	p1 =	sgt.s32 s2, $0x6  }
0x3f: {  	s6 =	smov.u32 s22;
	s31 =	sadd.s32 $0x1, s23;
	s4 =	smov.u32 @p1 s3  }
0x40: {  	s0 =	smul.u32 @!p0 s1, s0;
	s1 =	simm.s32 $0x1;
	p2 =	sgt.s32 s4, $0x1  }
0x41: {  	s30 =	smov.u32 s10;
	s28 =	smov.u32 s18;
	s1 =	simm.s32 @!p2 $0x0  }
0x42: {  	s29 =	smov.u32 s25;
	s18 =	smov.u32 s21;
	s1 =	sadd.s32 s1, s21  }
0x43: {  	s25 =	smov.u32 s22;
	s2 =	simm.s32 @p1 $0x0;
	p1 =	sgt.s32 s1, $0x9  }
0x44: {  	s27 =	smov.u32 s17;
	s17 =	smov.u32 s20;
	s6 =	smov.u32 @p1 s5  }
0x45: {  	s26 =	smov.u32 s16;
	s1 =	simm.s32 @p1 $0x0;
	p1 =	sgt.s32 s6, $0x3  }
0x46: {  	s16 =	smov.u32 s19;
	s6 =	smov.u32 @p1 s8;
	p1 =	sne.s32 s23, s14  }
.Ltmp1:
0x47: {  	s3 =	simm.s32 @!p0 $0x2;
	s0 =	sand.u32 @!p0 $0x3FFFFF80, s0;
	(pc) =	sbr.rel @!p1 .LBB1_17-.Ltmp1, $4  }
0x48: {  	s24 =	smov.u32 s15;
	s15 =	smov.u32 s7;
	_ =	swait.ge @!p0 [sflag:s3], s0  }
0x49: {  	s4 =	smov.u32 @p2 s9;
	s0 =	ssub.s32 @!p0 $0x0, s0;
	[sflag:s3] =	ssyncset.done @!p0 $0x0  }
0x4a: {  	s19 =	smov.u32 s2;
	s20 =	smov.u32 s4;
	[sflag:s3] =	ssyncadd.s32 @!p0 s0  }
0x4b: {  	s21 =	smov.u32 s1;
	s23 =	smov.u32 s31;
	s22 =	smov.u32 s6  }
.LBB1_1:
0x4c: {  	p0 =	sge.u32 s23, s11;
	s0 =	smov.u32 s22  }
0x4d: {  	p1 =	sgt.s32 @!p0 s22, $0x3;
	s1 =	sshra.s32 @!p0 s22, $0x1F;
	s2 =	sshra.s32 @!p0 s21, $0x1F  }
0x4e: {  	p2 =	sgt.s32 @!p0 s20, $0x1;
	s4 =	sshra.s32 @!p0 s19, $0x1F;
	p1 =	por !p1, p0  }
0x4f: {  	s1 =	sand.u32 @!p0 s1, s22;
	s0 =	simm.s32 @p1 $0x3;
	p1 =	sgt.s32 @!p0 s21, $0x9  }
0x50: {  	s0 =	ssub.s32 @!p0 s0, s1;
	p1 =	por !p1, p0;
	s1 =	smov.u32 s21  }
0x51: {  	s2 =	sand.u32 @!p0 s2, s21;
	s3 =	sadd.s32 @!p0 $0xFFFFFFFD, s0;
	s1 =	simm.s32 @p1 $0x9  }
0x52: {  	s0 =	ssub.s32 @!p0 $0x4, s0;
	p1 =	sgt.s32 @!p0 s3, $0x0;
	s1 =	ssub.s32 @!p0 s1, s2  }
0x53: {  	s3 =	smov.u32 s20;
	p1 =	por !p1, p0;
	s2 =	sadd.s32 @!p0 $0xFFFFFFF7, s1  }
0x54: {  	s0 =	simm.s32 @!p1 $0x0;
	p1 =	sgt.s32 @!p0 s2, $0x0;
	s2 =	sshra.s32 @!p0 s20, $0x1F  }
0x55: {  	s1 =	ssub.s32 @!p0 $0xA, s1;
	p1 =	por !p1, p0;
	s2 =	sand.u32 @!p0 s2, s20  }
0x56: {  	s0 =	smul.u32 @!p0 s0, s12;
	s1 =	simm.s32 @!p1 $0x0;
	p1 =	por !p2, p0  }
0x57: {  	s2 =	sxor.u32 @!p0 $0xFFFFFFFF, s2;
	s3 =	simm.s32 @p1 $0x1;
	p1 =	sgt.s32 @!p0 s19, $0x6  }
0x58: {  	s2 =	sadd.s32 @!p0 s2, s3;
	p1 =	por !p1, p0;
	s3 =	smov.u32 s19  }
0x59: {  	s4 =	sand.u32 @!p0 s4, s19;
	s3 =	simm.s32 @p1 $0x6  }
0x5a: {  	s0 =	smul.u32 @!p0 s1, s0;
	p1 =	sgt.s32 @!p0 s2, $0x0;
	s3 =	ssub.s32 @!p0 s3, s4  }
0x5b: {  	s2 =	ssub.s32 @!p0 $0x1, s2;
	p1 =	por !p1, p0;
	s4 =	sadd.s32 @!p0 $0xFFFFFFFA, s3  }
0x5c: {  	s2 =	simm.s32 @!p1 $0x0;
	p1 =	sgt.s32 @!p0 s4, $0x0  }
0x5d: {  	s1 =	ssub.s32 @!p0 $0x7, s3;
	s0 =	smul.u32 @!p0 s2, s0;
	p1 =	por !p1, p0  }
0x5e: {  	s1 =	simm.s32 @!p1 $0x0  }
0x5f: {  	s0 =	smul.u32 @!p0 s1, s0  }
0x60: {  	s1 =	smul.u32 @!p0 $0xDAC00, s22  }
0x61: {  	s31 =	sadd.s32 $0xFFFFFFFF, s23;
	s2 =	smul.u32 @!p0 $0x15E00, s21  }
0x62: {  	s3 =	sxor.u32 @!p0 $0xFFFFFFFF, s23;
	s4 =	smul.u32 @!p0 $0xAF00, s20;
	s1 =	sadd.s32 @!p0 s1, s13  }
0x63: {  	s5 =	smul.u32 @!p0 $0x1900, s19;
	s3 =	sshll.u32 @!p0 s3, $0xE;
	s1 =	sadd.s32 @!p0 s2, s1  }
0x64: {  	s0 =	sand.u32 @!p0 $0x3FFFFC00, s0;
	s2 =	sand.u32 @!p0 $0x4000, s3;
	s1 =	sadd.s32 @!p0 s4, s1  }
0x65: {  	s3 =	simm.s32 @!p0 $0x400;
	s4 =	simm.s32 @!p0 $0x800;
	s1 =	sadd.s32 @!p0 s5, s1  }
0x66: {  	[tilespmem:s2], [sflag:$0x1] =	stream.strided.gather @!p0 [hbm4b:s1+s3], s0, s4, s3, $0x38;
	[tilespmem:$0x10100] =	vst v63  }
0x67: {  	p0 =	sge.u32 s31, s11  }
.Ltmp2:
0x68: {  	_ = 	snop;
	(pc) =	sbr.rel @p0 .LBB1_16-.Ltmp2, $1  }
0x69: {  	_ =	sdelay $0x3  }
0x6a: {  	[dreg:$0x12] =	wrdreg s29  }
0x6b: {  	[dreg:$0x11] =	wrdreg s27;
	p0 =	sgt.s32 s25, $0x3;
	s0 =	smov.u32 s25  }
0x6c: {  	s1 =	sshra.s32 s25, $0x1F;
	s2 =	smov.u32 s18;
	s3 =	sshra.s32 s18, $0x1F  }
0x6d: {  	s11 =	sshra.s32 s17, $0x1F;
	s4 =	sshra.s32 s16, $0x1F;
	s0 =	simm.s32 @!p0 $0x3  }
0x6e: {  	s1 =	sand.u32 s1, s25;
	p0 =	sgt.s32 s18, $0x9;
	s9 =	sand.u32 s3, s18  }
0x6f: {  	s12 =	sand.u32 s11, s17;
	s0 =	ssub.s32 s0, s1;
	s2 =	simm.s32 @!p0 $0x9  }
0x70: {  	s3 =	smov.u32 s16;
	s10 =	sadd.s32 $0xFFFFFFFD, s0;
	s1 =	ssub.s32 s2, s9  }
0x71: {  	s0 =	ssub.s32 $0x4, s0;
	p0 =	sgt.s32 s10, $0x0;
	s2 =	sadd.s32 $0xFFFFFFF7, s1  }
0x72: {  	s1 =	ssub.s32 $0xA, s1;
	s0 =	simm.s32 @p0 $0x0;
	p0 =	sgt.s32 s2, $0x0  }
0x73: {  	s2 =	smov.u32 s17;
	s1 =	simm.s32 @p0 $0x0;
	p0 =	sgt.s32 s17, $0x1  }
0x74: {  	s0 =	smul.u32 s0, s1;
	s2 =	simm.s32 @!p0 $0x1;
	s1 =	sxor.u32 $0xFFFFFFFF, s12  }
0x75: {  	s13 =	sand.u32 s4, s16;
	p0 =	sgt.s32 s16, $0x6;
	s1 =	sadd.s32 s1, s2  }
0x76: {  	s3 =	simm.s32 @!p0 $0x6;
	p0 =	sgt.s32 s1, $0x0;
	s1 =	ssub.s32 $0x1, s1  }
0x77: {  	[dreg:$0x10] =	wrdreg s26;
	s2 =	ssub.s32 s3, s13;
	s1 =	simm.s32 @p0 $0x0  }
0x78: {  	s4 =	sadd.s32 $0x1, s17;
	s3 =	sadd.s32 $0xFFFFFFFA, s2;
	s0 =	smul.u32 s1, s0  }
0x79: {  	p0 =	sgt.s32 s3, $0x0;
	s1 =	ssub.s32 $0x7, s2;
	s2 =	sadd.s32 $0x1, s18  }
0x7a: {  	s1 =	simm.s32 @p0 $0x0;
	p0 =	sgt.s32 s30, $0x48;
	p1 =	slt.s32 s2, $0xA  }
0x7b: {  	s6 =	smul.u32 s1, s0;
	s0 =	smov.u32 s30;
	s1 =	sadd.s32 $0x1, s25  }
0x7c: {  	s2 =	simm.s32 @!p1 $0xA;
	s0 =	simm.s32 @!p0 $0x48;
	p0 =	slt.s32 s1, $0x4  }
0x7d: {  	s14 =	sshll.u32 s0, $0x7;
	s1 =	simm.s32 @!p0 $0x4;
	s0 =	ssub.s32 s2, s18  }
0x7e: {  	p0 =	slt.s32 s4, $0x2;
	s2 =	sadd.s32 $0x1, s16;
	s31 =	ssub.s32 s1, s25  }
0x7f: {  	s4 =	simm.s32 @!p0 $0x2;
	p1 =	slt.s32 s2, $0x7;
	p0 =	slt.s32 s31, $0x1  }
0x80: {  	s1 =	ssub.s32 s4, s17;
	s2 =	simm.s32 @!p1 $0x7;
	p2 =	slt.s32 @!p0 s0, $0x1  }
0x81: {  	p1 =	slt.s32 s30, $0x48;
	s4 =	smov.u32 s30;
	p2 =	por p0, p2  }
0x82: {  	s5 =	smov.u32 s15;
	s4 =	simm.s32 @!p1 $0x48;
	p1 =	slt.s32 @!p2 s1, $0x1  }
0x83: {  	s2 =	ssub.s32 s2, s16;
	p1 =	por p2, p1;
	p2 =	slt.s32 s15, $0x30  }
0x84: {  	s4 =	ssub.s32 s4, s30;
	s5 =	simm.s32 @!p2 $0x30;
	p2 =	slt.s32 @!p1 s2, $0x1  }
0x85: {  	[dreg:$0xf] =	wrdreg s25;
	s13 =	sadd.s32 $0x80, s4;
	p1 =	por p1, p2  }
0x86: {  	[dreg:$0xe] =	wrdreg s18;
	s25 =	ssub.s32 s5, s15;
	p2 =	seq.s32 @!p1 s13, $0x0  }
0x87: {  	[dreg:$0xd] =	wrdreg s17;
	s7 =	sadd.s32 $0x80, s25;
	p1 =	por p1, p2  }
0x88: {  	[dreg:$0xc] =	wrdreg s16;
	s3 =	ssub.s32 $0x6400, s14;
	p2 =	seq.s32 @!p1 s7, $0x0  }
0x89: {  	[dreg:$0x13] =	wrdreg s30;
	s3 =	smul.u32 s6, s3;
	p1 =	por p1, p2  }
.Ltmp3:
0x8a: {  	[dreg:$0xb] =	wrdreg s15;
	s27 =	simm.s32 $0x1;
	(pc) =	sbr.rel @p1 .LBB1_15-.Ltmp3, $4  }
0x8b: {  	[dreg:$0x14] =	wrdreg s6;
	s26 =	sand.u32 $0x3FFFFF80, s3;
	s3 =	sand.u32 $0x1, s23  }
0x8c: {  	_ =	swait.ge [sflag:s27], s26;
	s30 =	smul.u32 $0x4080, s3  }
0x8d: {  	s29 =	ssub.s32 $0x0, s26;
	[sflag:s27] =	ssyncset.done $0x0  }
0x8e: {  	[sflag:s27] =	ssyncadd.s32 s29;
	[dreg:$0x15] =	wrdreg s30  }
0x8f: {  	s4 =	rddreg [dreg:$0x15]  }
0x90: {  	s3 =	sshll.u32 @!p0 s3, $0xE;
	s9 =	simm.s32 $0x0;
	s4 =	sor.u32 @!p0 $0x8000, s4  }
.LBB1_4:
0x91: {  	s10 =	simm.s32 $0x0  }
.LBB1_5:
0x92: {  	s11 =	sadd.s32 s9, s10;
	s5 =	simm.s32 $0x0  }
.LBB1_6:
0x93: {  	s6 =	sadd.s32 s11, s5;
	s8 =	simm.s32 $0x0  }
.LBB1_7:
0x94: {  	s12 =	sadd.s32 s6, s8  }
0x95: {  	s14 =	smul.u32 $0x10200, s12  }
0x96: {  	s12 =	sshll.u32 s12, $0x10  }
0x97: {  	s12 =	sshra.s32 s12, $0x2;
	s14 =	sshra.s32 s14, $0x2  }
0x98: {  	s30 =	sadd.s32 s12, s3;
	s12 =	sadd.s32 s14, s4;
	s14 =	simm.s32 $0x0  }
.LBB1_8:
0x99: {  	s25 =	sshll.u32 s14, $0x7;
	s15 =	sshrl.u32 s14, $0x4  }
0x9a: {  	s17 =	sand.u32 $0x7F, s14;
	s18 =	simm.s32 $0x0;
	s16 =	sand.u32 $0x380, s25  }
0x9b: {  	s29 =	simm.s32 $0x0;
	s17 =	sadd.s32 s17, s12;
	s16 =	sadd.s32 s16, s30  }
.LBB1_9:
0x9c: {  	s26 =	sand.u32 $0x3C00, s18  }
0x9d: {  	s26 =	sadd.s32 s25, s26  }
0x9e: {  	s26 =	sand.u32 $0x3C00, s26  }
0x9f: {  	s27 =	sand.u32 $0x70, s29;
	s26 =	sadd.s32 s26, s16  }
0xa0: {  	s26 =	sadd.s32 s27, s26;
	s27 =	sadd.s32 s29, s15  }
0xa1: {  	s29 =	sadd.s32 $0x10, s29;
	s27 =	sand.u32 $0x78, s27  }
0xa2: {  	v0 =	vld [tilespmem:s26+$0x0];
	p0 =	slt.u32 s29, s7;
	s26 =	smul.u32 $0x204, s27  }
.Ltmp4:
0xa3: {  	_ = 	snop;
	(pc) =	sbr.rel @p0 .LBB1_9-.Ltmp4, $4  }
0xa4: {  	_ = 	snop  }
0xa5: {  	s26 =	sshrl.u32 s26, $0x2  }
0xa6: {  	s26 =	sadd.s32 s26, s17  }
0xa7: {  	s18 =	sadd.s32 $0x80, s18;
	[tilespmem:s26+$0x0 ss:$0x81] =	vst.msk $0xffff, v0  }
0xa8: {  	s14 =	sadd.s32 $0x1, s14  }
0xa9: {  	p0 =	sne.s32 s14, s13  }
.Ltmp5:
0xaa: {  	_ = 	snop;
	(pc) =	sbr.rel @p0 .LBB1_8-.Ltmp5, $1  }
0xab: {  	_ =	sdelay $0x3  }
0xac: {  	s8 =	sadd.s32 $0x1, s8  }
0xad: {  	p0 =	sne.s32 s8, s2  }
.Ltmp6:
0xae: {  	_ = 	snop;
	(pc) =	sbr.rel @p0 .LBB1_7-.Ltmp6, $1  }
0xaf: {  	_ =	sdelay $0x3  }
0xb0: {  	s5 =	sadd.s32 $0x1, s5  }
0xb1: {  	p0 =	sne.s32 s5, s1  }
.Ltmp7:
0xb2: {  	_ = 	snop;
	(pc) =	sbr.rel @p0 .LBB1_6-.Ltmp7, $1  }
0xb3: {  	_ =	sdelay $0x3  }
0xb4: {  	s10 =	sadd.s32 $0x1, s10  }
0xb5: {  	p0 =	sne.s32 s10, s0  }
.Ltmp8:
0xb6: {  	_ = 	snop;
	(pc) =	sbr.rel @p0 .LBB1_5-.Ltmp8, $1  }
0xb7: {  	_ =	sdelay $0x3  }
0xb8: {  	s9 =	sadd.s32 $0x1, s9  }
0xb9: {  	p0 =	sne.s32 s9, s31  }
.Ltmp9:
0xba: {  	_ = 	snop;
	(pc) =	sbr.rel @p0 .LBB1_4-.Ltmp9, $4  }
.Ltmp10:
0xbb: {  	_ = 	snop;
	(pc) =	sbr.rel @!p0 .LBB1_15-.Ltmp10, $4  }
0xbc: {  	_ = 	snop  }
0xbd: {  	_ = 	snop  }
0xbe: {  	_ = 	snop  }
0xbf: {  	_ = 	snop  }
.LBB1_17:
0xc0: {  	_ =	sfence.sel $0x180000  }
0xc1: {  	s0 =	simm.s32 $0x1;
	[bflag:$0x0] =	sbarrier.arrive $0xFFFF  }
0xc2: {  	s30 =	simm.s32 $0x2;
	[sflag:s0] =	ssyncpa.u1 $0x1  }
0xc3: {  	[sflag:s30] =	ssyncpa.u1 $0x1  }
0xc4: {  	_ =	strace $0x90000047  }
0xc5: {  	s31 =	stileid.u32;
	[bflag:$0x2] =	sbarrier.arrive $0xFFFF  }
0xc6: {  	p0 =	sne.s32 s31, $0x0;
	s0 =	rddreg [dreg:$0x2]  }
0xc7: {  	s0 =	sadd.s32 @!p0 $0x100000, s0  }
0xc8: {  	[sflag:s0] =	ssyncadd.tile.s32 @!p0 $0x1;
	_ =	shalt  }
.Lfunc_end1:
_tile_overlayer_lowered:
.L_overlay_start_2:
0xc9: {  	(tag) =	ssettag $0x2  }
0xca: {  	s0 =	rddreg [dreg:$0x0];
	s2 =	stileid.u32  }
0xcb: {  	s1 =	rddreg [dreg:$0x1];
	p0 =	sne.s32 s2, $0x0  }
0xcc: {  	s3 =	rddreg [dreg:$0x2];
	[bflag:$0x3] =	sbarrier.arrive $0xFFFF;
	s2 =	simm.s32 @!p0 $0x1C01  }
0xcd: {  	[timem:s3], [sflag:s2] =	dma.local @!p0 [hbm:s0], s1  }
0xce: {  	s0 =	simm.s32 @!p0 $0x1  }
0xcf: {  	_ =	swait.ge @!p0 [sflag:s0], s1  }
0xd0: {  	s1 =	ssub.s32 @!p0 $0x0, s1;
	[sflag:s0] =	ssyncset.done @!p0 $0x0  }
0xd1: {  	[sflag:s0] =	ssyncadd.s32 @!p0 s1  }
0xd2: {  	[bflag:$0x3] =	sbarrier.arrive $0xFFFF  }
0xd3: {  	_ =	shalt  }

</sc_bundles>
